<compile_context>
chip_gen: v7x
topology: tpu7x:2x2x1
jax: 0.10.2.dev20260603
libtpu: 0.0.44.dev20260713+nightly
codegen_flags: <defaults>
</compile_context>

<pallas_src>
import functools

import jax
import jax.numpy as jnp
from jax import lax
from jax.experimental import pallas as pl
from jax.experimental.pallas import tpu as pltpu
from jax.experimental.pallas import tpu_sc as plsc

_NC = 2
_NS = 16
_NW = _NC * _NS


@functools.lru_cache(maxsize=None)
def _build(B, D):
    assert B % (8 * _NW) == 0
    b_per_w = B // _NW
    mesh = plsc.VectorSubcoreMesh(core_axis_name="c", subcore_axis_name="s")

    @functools.partial(
        pl.kernel,
        mesh=mesh,
        out_type=(
            jax.ShapeDtypeStruct((B, D), jnp.float32),
            jax.ShapeDtypeStruct((B, D), jnp.float32),
            jax.ShapeDtypeStruct((B,), jnp.float32),
            jax.ShapeDtypeStruct((B,), jnp.float32),
        ),
        scratch_types=[
            pltpu.VMEM((b_per_w,), jnp.int32),
            pltpu.VMEM((b_per_w,), jnp.int32),
            pltpu.VMEM((b_per_w, D), jnp.float32),
            pltpu.VMEM((b_per_w, D), jnp.float32),
            pltpu.VMEM((b_per_w,), jnp.float32),
            pltpu.VMEM((b_per_w,), jnp.float32),
            pltpu.SemaphoreType.DMA,
        ],
        compiler_params=pltpu.CompilerParams(use_tc_tiling_on_sc=False),
    )
    def glove_gather(ctr_hbm, cxt_hbm, ctr_tab, cxt_tab, ctr_bias, cxt_bias,
                     ctr_out, cxt_out, ctr_b_out, cxt_b_out,
                     ctr_idx, cxt_idx, ctr_rows, cxt_rows, ctr_bv, cxt_bv,
                     sem):
        wid = lax.axis_index("s") * _NC + lax.axis_index("c")
        base = wid * b_per_w
        pltpu.sync_copy(ctr_hbm.at[pl.ds(base, b_per_w)], ctr_idx)
        pltpu.sync_copy(cxt_hbm.at[pl.ds(base, b_per_w)], cxt_idx)
        c1 = pltpu.async_copy(ctr_tab.at[ctr_idx], ctr_rows, sem)
        c2 = pltpu.async_copy(cxt_tab.at[cxt_idx], cxt_rows, sem)
        c3 = pltpu.async_copy(ctr_bias.at[ctr_idx], ctr_bv, sem)
        c4 = pltpu.async_copy(cxt_bias.at[cxt_idx], cxt_bv, sem)
        c1.wait()
        pltpu.sync_copy(ctr_rows, ctr_out.at[pl.ds(base, b_per_w)])
        c2.wait()
        pltpu.sync_copy(cxt_rows, cxt_out.at[pl.ds(base, b_per_w)])
        c3.wait()
        pltpu.sync_copy(ctr_bv, ctr_b_out.at[pl.ds(base, b_per_w)])
        c4.wait()
        pltpu.sync_copy(cxt_bv, cxt_b_out.at[pl.ds(base, b_per_w)])

    return glove_gather


def kernel(ctr, cxt, ctr_table, cxt_table, ctr_bias_table, cxt_bias_table):
    B = ctr.shape[0]
    D = ctr_table.shape[1]
    fn = _build(B, D)
    ce, xe, cb, xb = fn(
        ctr.astype(jnp.int32),
        cxt.astype(jnp.int32),
        ctr_table,
        cxt_table,
        ctr_bias_table.reshape(-1),
        cxt_bias_table.reshape(-1),
    )
    return ce, xe, cb.reshape(B, 1), xb.reshape(B, 1)

# --- scband reference (transcript-rebuilt; emitter-appended) ---
"""Pipeline reference for scband-glo-ve-model-17214228922581 (READ-ONLY COPY).

The authoritative reference and input builder live on the scoring server;
editing this copy changes nothing except your own understanding.
"""

import jax, jax.numpy as jnp
import numpy as np

V = 1000001  # 1 + num_vocab
D = 32
B = 16384

def setup_inputs(seed: int = 0) -> dict:
    key = jax.random.key(seed)
    k1, k2, k3, k4, k5, k6 = jax.random.split(key, 6)
    ctr = jax.random.randint(k1, (B,), 0, 1000000)
    cxt = jax.random.randint(k2, (B,), 0, 1000000)
    ctr_table = jax.random.normal(k3, (V, D), dtype=jnp.float32) * 0.02
    cxt_table = jax.random.normal(k4, (V, D), dtype=jnp.float32) * 0.02
    ctr_bias_table = jax.random.normal(k5, (V, 1), dtype=jnp.float32) * 0.02
    cxt_bias_table = jax.random.normal(k6, (V, 1), dtype=jnp.float32) * 0.02
    return {"ctr": ctr, "cxt": cxt,
            "ctr_table": ctr_table, "cxt_table": cxt_table,
            "ctr_bias_table": ctr_bias_table, "cxt_bias_table": cxt_bias_table}

def reference(ctr, cxt, ctr_table, cxt_table, ctr_bias_table, cxt_bias_table):
    ctr = ctr.astype(jnp.int64) if ctr.dtype != jnp.int32 else ctr
    cxt = cxt.astype(jnp.int64) if cxt.dtype != jnp.int32 else cxt
    ctr_embed = jnp.take(ctr_table, ctr, axis=0)
    cxt_embed = jnp.take(cxt_table, cxt, axis=0)
    ctr_bias = jnp.take(ctr_bias_table, ctr, axis=0)
    cxt_bias = jnp.take(cxt_bias_table, cxt, axis=0)
    return (ctr_embed, cxt_embed, ctr_bias, cxt_bias)

if __name__ == "__main__":
    import jax
    _d = setup_inputs()
    print(jax.jit(kernel)(*tuple(_d.values())))

</pallas_src>

<mosaic_0001>
#map = affine_map<(d0, d1) -> (0)>
#map1 = affine_map<(d0, d1) -> (0, 0)>
module attributes {stable_mosaic.version = 14 : i64} {
  func.func @glove_gather(%arg0: i32, %arg1: i32, %arg2: memref<16384xi32, #tpu.memory_space<hbm>>, %arg3: memref<16384xi32, #tpu.memory_space<hbm>>, %arg4: memref<1000001x32xf32, #tpu.memory_space<hbm>>, %arg5: memref<1000001x32xf32, #tpu.memory_space<hbm>>, %arg6: memref<1000001xf32, #tpu.memory_space<hbm>>, %arg7: memref<1000001xf32, #tpu.memory_space<hbm>>, %arg8: memref<16384x32xf32, #tpu.memory_space<hbm>>, %arg9: memref<16384x32xf32, #tpu.memory_space<hbm>>, %arg10: memref<16384xf32, #tpu.memory_space<hbm>>, %arg11: memref<16384xf32, #tpu.memory_space<hbm>>, %arg12: memref<512xi32, #tpu.memory_space<vmem>>, %arg13: memref<512xi32, #tpu.memory_space<vmem>>, %arg14: memref<512x32xf32, #tpu.memory_space<vmem>>, %arg15: memref<512x32xf32, #tpu.memory_space<vmem>>, %arg16: memref<512xf32, #tpu.memory_space<vmem>>, %arg17: memref<512xf32, #tpu.memory_space<vmem>>, %arg18: memref<!tpu.dma_semaphore, #tpu.memory_space<semaphore_mem>>) attributes {dimension_semantics = [#tpu.dimension_semantics<core_parallel>, #tpu.dimension_semantics<subcore_parallel>], iteration_bounds = array<i64: 2, 16>, scalar_prefetch = 0 : i64, scratch_operands = 7 : i64, tpu.core_type = #tpu.core_type<sc_vector_subcore>, window_params = [{transform_indices = #map}, {transform_indices = #map}, {transform_indices = #map1}, {transform_indices = #map1}, {transform_indices = #map}, {transform_indices = #map}, {transform_indices = #map1}, {transform_indices = #map1}, {transform_indices = #map}, {transform_indices = #map}]} {
    %mul3A = arith.constant 2 : i32
    %mul3A_0 = arith.muli %arg1, %mul3A : i32
    %add3A = arith.addi %mul3A_0, %arg0 : i32
    %mul3A_1 = arith.constant 512 : i32
    %mul3A_2 = arith.muli %add3A, %mul3A_1 : i32
    "tpu.region"() ({
      %run_scoped3A = tpu.sem_alloc : memref<!tpu.dma_semaphore, #tpu.memory_space<semaphore_mem>>
      %dma_start3A_21 = tpu.memref_slice %arg2[%mul3A_2] : memref<16384xi32, #tpu.memory_space<hbm>> -> memref<512xi32, #tpu.memory_space<hbm>>
      %dma_start3A_22 = tpu.memref_slice %arg2[%mul3A_2] : memref<16384xi32, #tpu.memory_space<hbm>> -> memref<512xi32, #tpu.memory_space<hbm>>
      tpu.enqueue_dma source(%dma_start3A_22 : memref<512xi32, #tpu.memory_space<hbm>>) target(%arg12 : memref<512xi32, #tpu.memory_space<vmem>>) target_semaphore(%run_scoped3A : memref<!tpu.dma_semaphore, #tpu.memory_space<semaphore_mem>>)
      %dma_wait3A_23 = tpu.memref_slice %arg2[%mul3A_2] : memref<16384xi32, #tpu.memory_space<hbm>> -> memref<512xi32, #tpu.memory_space<hbm>>
      %dma_wait3A_24 = tpu.memref_slice %arg2[%mul3A_2] : memref<16384xi32, #tpu.memory_space<hbm>> -> memref<512xi32, #tpu.memory_space<hbm>>
      tpu.wait_dma2 semaphore(%run_scoped3A : memref<!tpu.dma_semaphore, #tpu.memory_space<semaphore_mem>>) src(%dma_wait3A_24 : memref<512xi32, #tpu.memory_space<hbm>>) dst(%arg12 : memref<512xi32, #tpu.memory_space<vmem>>)
      tpu.yield
    }) : () -> ()
    "tpu.region"() ({
      %run_scoped3A = tpu.sem_alloc : memref<!tpu.dma_semaphore, #tpu.memory_space<semaphore_mem>>
      %dma_start3A_21 = tpu.memref_slice %arg3[%mul3A_2] : memref<16384xi32, #tpu.memory_space<hbm>> -> memref<512xi32, #tpu.memory_space<hbm>>
      %dma_start3A_22 = tpu.memref_slice %arg3[%mul3A_2] : memref<16384xi32, #tpu.memory_space<hbm>> -> memref<512xi32, #tpu.memory_space<hbm>>
      tpu.enqueue_dma source(%dma_start3A_22 : memref<512xi32, #tpu.memory_space<hbm>>) target(%arg13 : memref<512xi32, #tpu.memory_space<vmem>>) target_semaphore(%run_scoped3A : memref<!tpu.dma_semaphore, #tpu.memory_space<semaphore_mem>>)
      %dma_wait3A_23 = tpu.memref_slice %arg3[%mul3A_2] : memref<16384xi32, #tpu.memory_space<hbm>> -> memref<512xi32, #tpu.memory_space<hbm>>
      %dma_wait3A_24 = tpu.memref_slice %arg3[%mul3A_2] : memref<16384xi32, #tpu.memory_space<hbm>> -> memref<512xi32, #tpu.memory_space<hbm>>
      tpu.wait_dma2 semaphore(%run_scoped3A : memref<!tpu.dma_semaphore, #tpu.memory_space<semaphore_mem>>) src(%dma_wait3A_24 : memref<512xi32, #tpu.memory_space<hbm>>) dst(%arg13 : memref<512xi32, #tpu.memory_space<vmem>>)
      tpu.yield
    }) : () -> ()
    %dma_start3A = arith.constant 0 : i32
    %dma_start3A_3 = arith.constant 0 : i32
    %dma_start3A_4 = tpu.memref_slice %arg4[%dma_start3A, %dma_start3A_3] : memref<1000001x32xf32, #tpu.memory_space<hbm>> -> memref<1000001x32xf32, #tpu.memory_space<hbm>>
    tpu.enqueue_indirect_dma source(%dma_start3A_4 : memref<1000001x32xf32, #tpu.memory_space<hbm>>) target(%arg14 : memref<512x32xf32, #tpu.memory_space<vmem>>) offsets(%arg12 : memref<512xi32, #tpu.memory_space<vmem>>) semaphore(%arg18 : memref<!tpu.dma_semaphore, #tpu.memory_space<semaphore_mem>>)
    %dma_start3A_5 = arith.constant 0 : i32
    %dma_start3A_6 = arith.constant 0 : i32
    %dma_start3A_7 = tpu.memref_slice %arg5[%dma_start3A_5, %dma_start3A_6] : memref<1000001x32xf32, #tpu.memory_space<hbm>> -> memref<1000001x32xf32, #tpu.memory_space<hbm>>
    tpu.enqueue_indirect_dma source(%dma_start3A_7 : memref<1000001x32xf32, #tpu.memory_space<hbm>>) target(%arg15 : memref<512x32xf32, #tpu.memory_space<vmem>>) offsets(%arg13 : memref<512xi32, #tpu.memory_space<vmem>>) semaphore(%arg18 : memref<!tpu.dma_semaphore, #tpu.memory_space<semaphore_mem>>)
    %dma_start3A_8 = arith.constant 0 : i32
    %dma_start3A_9 = tpu.memref_slice %arg6[%dma_start3A_8] : memref<1000001xf32, #tpu.memory_space<hbm>> -> memref<1000001xf32, #tpu.memory_space<hbm>>
    tpu.enqueue_indirect_dma source(%dma_start3A_9 : memref<1000001xf32, #tpu.memory_space<hbm>>) target(%arg16 : memref<512xf32, #tpu.memory_space<vmem>>) offsets(%arg12 : memref<512xi32, #tpu.memory_space<vmem>>) semaphore(%arg18 : memref<!tpu.dma_semaphore, #tpu.memory_space<semaphore_mem>>)
    %dma_start3A_10 = arith.constant 0 : i32
    %dma_start3A_11 = tpu.memref_slice %arg7[%dma_start3A_10] : memref<1000001xf32, #tpu.memory_space<hbm>> -> memref<1000001xf32, #tpu.memory_space<hbm>>
    tpu.enqueue_indirect_dma source(%dma_start3A_11 : memref<1000001xf32, #tpu.memory_space<hbm>>) target(%arg17 : memref<512xf32, #tpu.memory_space<vmem>>) offsets(%arg13 : memref<512xi32, #tpu.memory_space<vmem>>) semaphore(%arg18 : memref<!tpu.dma_semaphore, #tpu.memory_space<semaphore_mem>>)
    %dma_wait3A = arith.constant 0 : i32
    %dma_wait3A_12 = arith.constant 0 : i32
    %dma_wait3A_13 = tpu.memref_slice %arg4[%dma_wait3A, %dma_wait3A_12] : memref<1000001x32xf32, #tpu.memory_space<hbm>> -> memref<1000001x32xf32, #tpu.memory_space<hbm>>
    tpu.wait_indirect_dma semaphore(%arg18 : memref<!tpu.dma_semaphore, #tpu.memory_space<semaphore_mem>>) src(%dma_wait3A_13 : memref<1000001x32xf32, #tpu.memory_space<hbm>>) dst(%arg14 : memref<512x32xf32, #tpu.memory_space<vmem>>)
    "tpu.region"() ({
      %run_scoped3A = tpu.sem_alloc : memref<!tpu.dma_semaphore, #tpu.memory_space<semaphore_mem>>
      %dma_start3A_21 = arith.constant 0 : i32
      %dma_start3A_22 = tpu.memref_slice %arg8[%mul3A_2, %dma_start3A_21] : memref<16384x32xf32, #tpu.memory_space<hbm>> -> memref<512x32xf32, #tpu.memory_space<hbm>>
      %dma_start3A_23 = arith.constant 0 : i32
      %dma_start3A_24 = tpu.memref_slice %arg8[%mul3A_2, %dma_start3A_23] : memref<16384x32xf32, #tpu.memory_space<hbm>> -> memref<512x32xf32, #tpu.memory_space<hbm>>
      tpu.enqueue_dma source(%arg14 : memref<512x32xf32, #tpu.memory_space<vmem>>) target(%dma_start3A_24 : memref<512x32xf32, #tpu.memory_space<hbm>>) target_semaphore(%run_scoped3A : memref<!tpu.dma_semaphore, #tpu.memory_space<semaphore_mem>>)
      %dma_wait3A_25 = arith.constant 0 : i32
      %dma_wait3A_26 = tpu.memref_slice %arg8[%mul3A_2, %dma_wait3A_25] : memref<16384x32xf32, #tpu.memory_space<hbm>> -> memref<512x32xf32, #tpu.memory_space<hbm>>
      %dma_wait3A_27 = arith.constant 0 : i32
      %dma_wait3A_28 = tpu.memref_slice %arg8[%mul3A_2, %dma_wait3A_27] : memref<16384x32xf32, #tpu.memory_space<hbm>> -> memref<512x32xf32, #tpu.memory_space<hbm>>
      tpu.wait_dma2 semaphore(%run_scoped3A : memref<!tpu.dma_semaphore, #tpu.memory_space<semaphore_mem>>) src(%arg14 : memref<512x32xf32, #tpu.memory_space<vmem>>) dst(%dma_wait3A_28 : memref<512x32xf32, #tpu.memory_space<hbm>>)
      tpu.yield
    }) : () -> ()
    %dma_wait3A_14 = arith.constant 0 : i32
    %dma_wait3A_15 = arith.constant 0 : i32
    %dma_wait3A_16 = tpu.memref_slice %arg5[%dma_wait3A_14, %dma_wait3A_15] : memref<1000001x32xf32, #tpu.memory_space<hbm>> -> memref<1000001x32xf32, #tpu.memory_space<hbm>>
    tpu.wait_indirect_dma semaphore(%arg18 : memref<!tpu.dma_semaphore, #tpu.memory_space<semaphore_mem>>) src(%dma_wait3A_16 : memref<1000001x32xf32, #tpu.memory_space<hbm>>) dst(%arg15 : memref<512x32xf32, #tpu.memory_space<vmem>>)
    "tpu.region"() ({
      %run_scoped3A = tpu.sem_alloc : memref<!tpu.dma_semaphore, #tpu.memory_space<semaphore_mem>>
      %dma_start3A_21 = arith.constant 0 : i32
      %dma_start3A_22 = tpu.memref_slice %arg9[%mul3A_2, %dma_start3A_21] : memref<16384x32xf32, #tpu.memory_space<hbm>> -> memref<512x32xf32, #tpu.memory_space<hbm>>
      %dma_start3A_23 = arith.constant 0 : i32
      %dma_start3A_24 = tpu.memref_slice %arg9[%mul3A_2, %dma_start3A_23] : memref<16384x32xf32, #tpu.memory_space<hbm>> -> memref<512x32xf32, #tpu.memory_space<hbm>>
      tpu.enqueue_dma source(%arg15 : memref<512x32xf32, #tpu.memory_space<vmem>>) target(%dma_start3A_24 : memref<512x32xf32, #tpu.memory_space<hbm>>) target_semaphore(%run_scoped3A : memref<!tpu.dma_semaphore, #tpu.memory_space<semaphore_mem>>)
      %dma_wait3A_25 = arith.constant 0 : i32
      %dma_wait3A_26 = tpu.memref_slice %arg9[%mul3A_2, %dma_wait3A_25] : memref<16384x32xf32, #tpu.memory_space<hbm>> -> memref<512x32xf32, #tpu.memory_space<hbm>>
      %dma_wait3A_27 = arith.constant 0 : i32
      %dma_wait3A_28 = tpu.memref_slice %arg9[%mul3A_2, %dma_wait3A_27] : memref<16384x32xf32, #tpu.memory_space<hbm>> -> memref<512x32xf32, #tpu.memory_space<hbm>>
      tpu.wait_dma2 semaphore(%run_scoped3A : memref<!tpu.dma_semaphore, #tpu.memory_space<semaphore_mem>>) src(%arg15 : memref<512x32xf32, #tpu.memory_space<vmem>>) dst(%dma_wait3A_28 : memref<512x32xf32, #tpu.memory_space<hbm>>)
      tpu.yield
    }) : () -> ()
    %dma_wait3A_17 = arith.constant 0 : i32
    %dma_wait3A_18 = tpu.memref_slice %arg6[%dma_wait3A_17] : memref<1000001xf32, #tpu.memory_space<hbm>> -> memref<1000001xf32, #tpu.memory_space<hbm>>
    tpu.wait_indirect_dma semaphore(%arg18 : memref<!tpu.dma_semaphore, #tpu.memory_space<semaphore_mem>>) src(%dma_wait3A_18 : memref<1000001xf32, #tpu.memory_space<hbm>>) dst(%arg16 : memref<512xf32, #tpu.memory_space<vmem>>)
    "tpu.region"() ({
      %run_scoped3A = tpu.sem_alloc : memref<!tpu.dma_semaphore, #tpu.memory_space<semaphore_mem>>
      %dma_start3A_21 = tpu.memref_slice %arg10[%mul3A_2] : memref<16384xf32, #tpu.memory_space<hbm>> -> memref<512xf32, #tpu.memory_space<hbm>>
      %dma_start3A_22 = tpu.memref_slice %arg10[%mul3A_2] : memref<16384xf32, #tpu.memory_space<hbm>> -> memref<512xf32, #tpu.memory_space<hbm>>
      tpu.enqueue_dma source(%arg16 : memref<512xf32, #tpu.memory_space<vmem>>) target(%dma_start3A_22 : memref<512xf32, #tpu.memory_space<hbm>>) target_semaphore(%run_scoped3A : memref<!tpu.dma_semaphore, #tpu.memory_space<semaphore_mem>>)
      %dma_wait3A_23 = tpu.memref_slice %arg10[%mul3A_2] : memref<16384xf32, #tpu.memory_space<hbm>> -> memref<512xf32, #tpu.memory_space<hbm>>
      %dma_wait3A_24 = tpu.memref_slice %arg10[%mul3A_2] : memref<16384xf32, #tpu.memory_space<hbm>> -> memref<512xf32, #tpu.memory_space<hbm>>
      tpu.wait_dma2 semaphore(%run_scoped3A : memref<!tpu.dma_semaphore, #tpu.memory_space<semaphore_mem>>) src(%arg16 : memref<512xf32, #tpu.memory_space<vmem>>) dst(%dma_wait3A_24 : memref<512xf32, #tpu.memory_space<hbm>>)
      tpu.yield
    }) : () -> ()
    %dma_wait3A_19 = arith.constant 0 : i32
    %dma_wait3A_20 = tpu.memref_slice %arg7[%dma_wait3A_19] : memref<1000001xf32, #tpu.memory_space<hbm>> -> memref<1000001xf32, #tpu.memory_space<hbm>>
    tpu.wait_indirect_dma semaphore(%arg18 : memref<!tpu.dma_semaphore, #tpu.memory_space<semaphore_mem>>) src(%dma_wait3A_20 : memref<1000001xf32, #tpu.memory_space<hbm>>) dst(%arg17 : memref<512xf32, #tpu.memory_space<vmem>>)
    "tpu.region"() ({
      %run_scoped3A = tpu.sem_alloc : memref<!tpu.dma_semaphore, #tpu.memory_space<semaphore_mem>>
      %dma_start3A_21 = tpu.memref_slice %arg11[%mul3A_2] : memref<16384xf32, #tpu.memory_space<hbm>> -> memref<512xf32, #tpu.memory_space<hbm>>
      %dma_start3A_22 = tpu.memref_slice %arg11[%mul3A_2] : memref<16384xf32, #tpu.memory_space<hbm>> -> memref<512xf32, #tpu.memory_space<hbm>>
      tpu.enqueue_dma source(%arg17 : memref<512xf32, #tpu.memory_space<vmem>>) target(%dma_start3A_22 : memref<512xf32, #tpu.memory_space<hbm>>) target_semaphore(%run_scoped3A : memref<!tpu.dma_semaphore, #tpu.memory_space<semaphore_mem>>)
      %dma_wait3A_23 = tpu.memref_slice %arg11[%mul3A_2] : memref<16384xf32, #tpu.memory_space<hbm>> -> memref<512xf32, #tpu.memory_space<hbm>>
      %dma_wait3A_24 = tpu.memref_slice %arg11[%mul3A_2] : memref<16384xf32, #tpu.memory_space<hbm>> -> memref<512xf32, #tpu.memory_space<hbm>>
      tpu.wait_dma2 semaphore(%run_scoped3A : memref<!tpu.dma_semaphore, #tpu.memory_space<semaphore_mem>>) src(%arg17 : memref<512xf32, #tpu.memory_space<vmem>>) dst(%dma_wait3A_24 : memref<512xf32, #tpu.memory_space<hbm>>)
      tpu.yield
    }) : () -> ()
    return
  }
}

</mosaic_0001>

<sc_bundles>
// kernel: kernel.3.cloned.1.call-start
scs
__scs_entry_jumppad:
0x0: {  	(pc) =	sbr.rel $0x88, $3  }
0x1: {  	(tag) =	ssettag $0x0;
	lr =	simm.s32 $0x1  }
0x2: {  	[smem:$0x3F9B] =	sst lr;
	_ =	strace $0xD0000000  }
0x3: {  	_ = 	snop  }
0x4: {  	_ = 	snop  }
0x5: {  	_ = 	snop  }
0x6: {  	_ = 	snop  }
0x7: {  	_ = 	snop  }
__scs_overlays_trampoline_lowered:
0x8: {  	[smem:$0x3FAA] =	sst s0  }
0x9: {  	[smem:$0x3FAB] =	sst s1  }
0xa: {  	[smem:$0x3FAC] =	sst s2  }
0xb: {  	[smem:$0x3FAD] =	sst s3  }
0xc: {  	[smem:$0x3FAE] =	sst s4  }
0xd: {  	[smem:$0x3FAF] =	sst s5  }
0xe: {  	[smem:$0x3FB0] =	sst s6  }
0xf: {  	[smem:$0x3FB1] =	sst s7  }
0x10: {  	[smem:$0x3FB2] =	sst s8  }
0x11: {  	[smem:$0x3FB3] =	sst s9;
	s0 =	simm.s32 @!p0 $0x0  }
0x12: {  	s1 =	sld [smem:$0x3F99];
	s0 =	simm.s32 @p0 $0x1  }
0x13: {  	[smem:$0x3FB4] =	sst s0;
	s0 =	simm.s32 @!p1 $0x0  }
0x14: {  	s2 =	sld [smem:$0x3F98];
	s0 =	simm.s32 @p1 $0x1  }
0x15: {  	[smem:$0x3FB5] =	sst s0;
	s0 =	simm.s32 @!p2 $0x0  }
0x16: {  	s3 =	sld [smem:$0x3FDB];
	s0 =	simm.s32 @p2 $0x1  }
0x17: {  	s4 =	simm.s32 $0x1BF5;
	[smem:$0x3FB7] =	sst s0  }
0x18: {  	s0 =	sld [smem:$0x3F9A];
	_ =	swait.ge [sflag:s4], $0x0  }
0x19: {  	s7 =	sld [smem:$0x3F9B]  }
0x1a: {  	s8 =	sadd.s32 $0xFFFFE003, lr  }
0x1b: {  	s9 =	sadd.s32 $0xFFFFFEF7, lr;
	s5 =	simm.s32 $0xFFFFFFFF;
	p2 =	slt.u32 s8, $0xFFFFF086  }
0x1c: {  	p1 =	slt.u32 s9, $0xF7A;
	s5 =	simm.s32 @!p2 $0x0  }
0x1d: {  	s5 =	simm.s32 @p1 $0x1;
	p0 =	seq.s32 s7, s2  }
0x1e: {  	s7 =	smul.u32 @!p0 $0xF7A, s2;
	p2 =	seq.s32 @!p0 s5, $0x0  }
0x1f: {  	s9 =	smul.u32 $0xF7A, s1;
	s8 =	simm.s32 @!p0 $0x1BF5;
	p2 =	por !p2, p0  }
0x20: {  	[sflag:s8] =	ssyncset.s32 @!p0 $0xFFFFF086;
	s6 =	sadd.s32 @!p0 s3, s7;
	s7 =	simm.s32 @!p0 $0x108  }
0x21: {  	s3 =	sadd.s32 s3, s9;
	s6 =	sadd.s32 @!p0 $0x88, s6;
	s7 =	simm.s32 @p2 $0x1082  }
0x22: {  	[simem:s7], [sflag:s8] =	dma.local @!p0 [hbm:s6], $0xF7A  }
0x23: {  	s9 =	sor.u32 $0xD0000000, s2;
	s6 =	simm.s32 $0x108;
	_ =	swait.ge @!p0 [sflag:s8], $0x0  }
0x24: {  	s3 =	sadd.s32 $0x88, s3;
	s6 =	simm.s32 @!p1 $0x1082;
	[sflag:s4] =	ssyncset.s32 $0xFFFFF086  }
0x25: {  	[simem:s6], [sflag:s4] =	dma.local [hbm:s3], $0xF7A  }
0x26: {  	[smem:$0x3F9B] =	sst s1;
	(tag) =	ssettag s2;
	_ =	strace s9  }
0x27: {  	s1 =	sld [smem:$0x3FAB]  }
0x28: {  	s2 =	sld [smem:$0x3FAC]  }
0x29: {  	s4 =	sld [smem:$0x3FAE]  }
0x2a: {  	p0 =	seq.s32 s5, $0x0;
	s5 =	sld [smem:$0x3FAF]  }
0x2b: {  	s6 =	sld [smem:$0x3FB0]  }
0x2c: {  	s7 =	sld [smem:$0x3FB1]  }
0x2d: {  	s3 =	simm.s32 $0x108;
	s8 =	sld [smem:$0x3FB2]  }
0x2e: {  	s3 =	simm.s32 @!p0 $0x1082;
	s9 =	sld [smem:$0x3FB3]  }
0x2f: {  	lr =	sadd.s32 s0, s3;
	s0 =	sld [smem:$0x3FAA]  }
0x30: {  	s3 =	sld [smem:$0x3FAD]  }
0x31: {  	[smem:$0x3FB6] =	sst s10  }
0x32: {  	s10 =	sld [smem:$0x3FB4];
	_ =	sdelay $0x3  }
0x33: {  	p0 =	seq.s32 s10, $0x1;
	s10 =	sld [smem:$0x3FB6];
	_ =	sdelay $0x3  }
0x34: {  	[smem:$0x3FB6] =	sst s10  }
0x35: {  	s10 =	sld [smem:$0x3FB5];
	_ =	sdelay $0x3  }
0x36: {  	p1 =	seq.s32 s10, $0x1;
	s10 =	sld [smem:$0x3FB6];
	_ =	sdelay $0x3  }
0x37: {  	[smem:$0x3FB6] =	sst s10  }
0x38: {  	s10 =	sld [smem:$0x3FB7]  }
0x39: {  	_ = 	snop;
	(pc) =	sbr.ind lr, $3  }
0x3a: {  	_ = 	snop  }
0x3b: {  	_ = 	snop  }
0x3c: {  	p2 =	seq.s32 s10, $0x1;
	s10 =	sld [smem:$0x3FB6]  }
0x3d: {  	_ =	shalt  }
0x3e: {  	_ =	shalt  }
0x3f: {  	_ =	shalt  }
0x40: {  	_ =	shalt  }
0x41: {  	_ =	shalt  }
0x42: {  	_ =	shalt  }
0x43: {  	_ =	shalt  }
0x44: {  	_ =	shalt  }
0x45: {  	_ =	shalt  }
0x46: {  	_ =	shalt  }
0x47: {  	_ =	shalt  }
0x48: {  	_ =	shalt  }
0x49: {  	_ =	shalt  }
0x4a: {  	_ =	shalt  }
0x4b: {  	_ =	shalt  }
0x4c: {  	_ =	shalt  }
0x4d: {  	_ =	shalt  }
0x4e: {  	_ =	shalt  }
0x4f: {  	_ =	shalt  }
0x50: {  	_ =	shalt  }
0x51: {  	_ =	shalt  }
0x52: {  	_ =	shalt  }
0x53: {  	_ =	shalt  }
0x54: {  	_ =	shalt  }
0x55: {  	_ =	shalt  }
0x56: {  	_ =	shalt  }
0x57: {  	_ =	shalt  }
0x58: {  	_ =	shalt  }
0x59: {  	_ =	shalt  }
0x5a: {  	_ =	shalt  }
0x5b: {  	_ =	shalt  }
0x5c: {  	_ =	shalt  }
0x5d: {  	_ =	shalt  }
0x5e: {  	_ =	shalt  }
0x5f: {  	_ =	shalt  }
0x60: {  	_ =	shalt  }
0x61: {  	_ =	shalt  }
0x62: {  	_ =	shalt  }
0x63: {  	_ =	shalt  }
0x64: {  	_ =	shalt  }
0x65: {  	_ =	shalt  }
0x66: {  	_ =	shalt  }
0x67: {  	_ =	shalt  }
0x68: {  	_ =	shalt  }
0x69: {  	_ =	shalt  }
0x6a: {  	_ =	shalt  }
0x6b: {  	_ =	shalt  }
0x6c: {  	_ =	shalt  }
0x6d: {  	_ =	shalt  }
0x6e: {  	_ =	shalt  }
0x6f: {  	_ =	shalt  }
0x70: {  	_ =	shalt  }
0x71: {  	_ =	shalt  }
0x72: {  	_ =	shalt  }
0x73: {  	_ =	shalt  }
0x74: {  	_ =	shalt  }
0x75: {  	_ =	shalt  }
0x76: {  	_ =	shalt  }
0x77: {  	_ =	shalt  }
0x78: {  	_ =	shalt  }
0x79: {  	_ =	shalt  }
0x7a: {  	_ =	shalt  }
0x7b: {  	_ =	shalt  }
0x7c: {  	_ =	shalt  }
0x7d: {  	_ =	shalt  }
0x7e: {  	_ =	shalt  }
0x7f: {  	_ =	shalt  }
0x80: {  	_ =	shalt  }
0x81: {  	_ =	shalt  }
0x82: {  	_ =	shalt  }
0x83: {  	_ =	shalt  }
0x84: {  	_ =	shalt  }
0x85: {  	_ =	shalt  }
0x86: {  	_ =	shalt  }
0x87: {  	_ =	shalt  }
.Lfunc_end0:
.L_simem_size_0:
called_computation_lowered:
.L_overlay_start_0:
0x88: {  	s2 =	sld [smem:$0x3FD9]  }
0x89: {  	s3 =	sld [smem:$0x3FFE];
	_ =	sdelay $0x1  }
0x8a: {  	s1 =	srdreg.scid  }
0x8b: {  	s0 =	sand.u32 $0x1, s1  }
0x8c: {  	s14 =	sshll.u32 s0, $0xA;
	s2 =	sadd.s32 s3, s2  }
0x8d: {  	s2 =	sadd.s32 s2, s14  }
0x8e: {  	[smem:$0x3FC2] =	sst s2  }
0x8f: {  	_ = 	snop  }
0x90: {  	s2 =	sld [smem:$0x3FD0];
	_ =	sdelay $0x1  }
0x91: {  	s15 =	sld [smem:$0x3FC9]  }
0x92: {  	s5 =	simm.s32 $0xA;
	s6 =	simm.s32 $0x10;
	s4 =	sld [smem:$0x3FC8]  }
0x93: {  	[smem:s6], [sflag:s5] =	dma.local [hbm:s2], $0x1  }
0x94: {  	_ =	swait.eq [sflag:s5], $0x1  }
0x95: {  	s16 =	sld [smem:$0x11];
	[sflag:s5] =	ssyncset.done $0x0  }
0x96: {  	s17 =	sld [smem:$0x12];
	[sflag:s5] =	ssyncadd.s32 $0xFFFFFFFF  }
0x97: {  	s18 =	sld [smem:$0x13];
	(tm) =	ssettm $0x1  }
0x98: {  	s7 =	sld [smem:$0x3FFB];
	_ =	sdelay $0x3  }
0x99: {  	_ =	strace s7  }
0x9a: {  	s7 =	sld [smem:$0x3FFC];
	_ =	sdelay $0x3  }
0x9b: {  	_ =	strace s7  }
0x9c: {  	s7 =	sld [smem:$0x3FFD];
	_ =	sdelay $0x3  }
0x9d: {  	_ =	strace s7  }
0x9e: {  	_ =	strace $0x8FFFFFFF  }
0x9f: {  	s19 =	sld [smem:$0x3FDB];
	_ =	sdelay $0x1  }
0xa0: {  	s8 =	simm.s32 $_scs_section_size  }
0xa1: {  	s9 =	simm.s32 $_size__tile_overlayer_lowered;
	s10 =	simm.s32 $_tile_overlayer_lowered  }
0xa2: {  	s22 =	simm.s32 $0x1BFF;
	s21 =	sshll.u32 s10, $0x1;
	s7 =	sadd.s32 s8, s19  }
0xa3: {  	s11 =	simm.s32 $0x0;
	s20 =	sshll.u32 s9, $0x1;
	s9 =	sadd.s32 s21, s7  }
0xa4: {  	[timem:s11], [sflag:s22] =	dma.local [hbm:s9], s20  }
0xa5: {  	_ =	swait.ge [sflag:s22], s20  }
0xa6: {  	s8 =	ssub.s32 $0x0, s20;
	[sflag:s22] =	ssyncset.done $0x0  }
0xa7: {  	[sflag:s22] =	ssyncadd.s32 s8;
	_ =	sdelay $0x1  }
0xa8: {  	s23 =	simm.s32 $0x1B8B  }
0xa9: {  	_ =	swait.ge [sflag:s23], $0x1  }
0xaa: {  	[sflag:s23] =	ssyncset.done $0x0  }
0xab: {  	s25 =	simm.s32 $0x1B8E;
	s24 =	sld [smem:$0x3FFE];
	[sflag:s23] =	ssyncadd.s32 $0xFFFFFFFF  }
0xac: {  	s26 =	simm.s32 $execute0_lowered;
	[smem:$0x3FD2] =	sst s25  }
0xad: {  	s9 =	sshll.u32 s26, $0x1;
	_ =	strace $0x80000046;
	[dreg:$0x1] =	wrdreg $0xFFFFFFFF  }
0xae: {  	s28 =	simm.s32 $_size_execute0_lowered;
	s7 =	sadd.s32 s7, s9;
	[dreg:$0x0] =	wrdreg $0x0  }
0xaf: {  	s9 =	sshll.u32 s28, $0x1;
	[dreg:$0x2] =	wrdreg s7  }
0xb0: {  	[dreg:$0x3] =	wrdreg s9  }
0xb1: {  	[dreg:$0x4] =	wrdreg $0xC0  }
0xb2: {  	_ =	task [dreg:s11], $0x5FFFF  }
0xb3: {  	[dreg:$0x1] =	wrdreg $0xFFFFFFFF  }
0xb4: {  	[dreg:$0x0] =	wrdreg $0x60  }
0xb5: {  	[dreg:$0x2] =	wrdreg s15  }
0xb6: {  	[dreg:$0x3] =	wrdreg s4  }
0xb7: {  	[dreg:$0x4] =	wrdreg s24  }
0xb8: {  	[dreg:$0x5] =	wrdreg s16  }
0xb9: {  	[dreg:$0x6] =	wrdreg s17  }
0xba: {  	[dreg:$0x7] =	wrdreg s18  }
0xbb: {  	[dreg:$0x8] =	wrdreg $0x9  }
0xbc: {  	_ =	task.clear_ibuf [dreg:s11], $0x9FFFF;
	_ =	strace $0x90000046  }
0xbd: {  	s29 =	simm.s32 $0x9;
	_ =	strace $0x80000048  }
0xbe: {  	_ =	swait.ge [sflag:s29], $0x1  }
0xbf: {  	[sflag:s29] =	ssyncadd.s32 $0xFFFFFFFF  }
0xc0: {  	_ =	strace $0x90000048  }
0xc1: {  	_ =	sfence  }
0xc2: {  	s30 =	sld [smem:$0x0];
	_ =	sdelay $0x2  }
0xc3: {  	s31 =	sshll.u32 s1, $0xD;
	s1 =	sshrl.u32 s1, $0x2  }
0xc4: {  	s3 =	sand.u32 $0x4000, s31;
	s1 =	sadd.s32 s1, s30  }
0xc5: {  	s0 =	sor.u32 s3, s0;
	s1 =	sshll.u32 s1, $0x11  }
0xc6: {  	s0 =	sor.u32 s1, s0  }
0xc7: {  	s0 =	sadd.s32 $0x8F2B, s0  }
0xc8: {  	[sflag:s0] =	ssyncadd.remote.s32 $0x1  }
0xc9: {  	_ =	sfence.sel $0xFFFF  }
0xca: {  	[dreg:$0x0] =	wrdreg $0xFFFFFFFF;
	(pc) =	sbr.abs _section_cstart, $3  }
0xcb: {  	[dreg:$0x1] =	wrdreg $0xFFFFFFFF  }
0xcc: {  	_ =	task.clear_ibuf [dreg:s11], $0x2FFFF;
	_ =	strace $0x9FFFFFFF  }
0xcd: {  	(tm) =	ssettm $0x7FFFFFFF  }
tec
execute0_lowered:
.L_overlay_start_1:
0x0: {  	(tag) =	ssettag $0x1  }
0x1: {  	s3 =	rddreg [dreg:$0x0]  }
0x2: {  	s5 =	rddreg [dreg:$0x1]  }
0x3: {  	s17 =	rddreg [dreg:$0x2]  }
0x4: {  	s16 =	rddreg [dreg:$0x3];
	s1 =	srdreg.scid  }
0x5: {  	s18 =	rddreg [dreg:$0x4];
	s0 =	stileid.u32;
	s20 =	sand.u32 $0x1, s1  }
0x6: {  	s19 =	rddreg [dreg:$0x5];
	s4 =	sshll.u32 s0, $0xA;
	s6 =	sshll.u32 s20, $0x9  }
0x7: {  	s2 =	simm.s32 $0x0;
	s1 =	rddreg [dreg:$0x6];
	s21 =	sor.u32 s6, s4  }
0x8: {  	[smem:$0x7FF] =	sst s2;
	s22 =	sshrl.u32 s21, $0x3  }
0x9: {  	_ =	strace $0x80000047;
	s4 =	sadd.s32 s3, s22;
	s3 =	simm.s32 $0x2  }
0xa: {  	[tilespmem:s2], [sflag:$0x2] =	stream.linear.gather [hbm4b:s4+s2], $0x200, $0x38;
	[tilespmem:$0x8800] =	vst v63  }
0xb: {  	_ =	swait.ge [sflag:s3], $0x200  }
0xc: {  	[sflag:s3] =	ssyncset.done $0x0  }
0xd: {  	s6 =	simm.s32 $0x200;
	s5 =	sadd.s32 s5, s22;
	[sflag:s3] =	ssyncadd.s32 $0xFFFFFE00  }
0xe: {  	[tilespmem:s6], [sflag:$0x2] =	stream.linear.gather [hbm4b:s5+s2], $0x200, $0x38;
	[tilespmem:$0x8800] =	vst v63  }
0xf: {  	_ =	swait.ge [sflag:s3], $0x200  }
0x10: {  	[sflag:s3] =	ssyncset.done $0x0  }
0x11: {  	s8 =	simm.s32 $0x400;
	s7 =	sadd.s32 $0x1313400, s17;
	[sflag:s3] =	ssyncadd.s32 $0xFFFFFE00  }
0x12: {  	[tilespmem:s8], [sflag:$0x1] =	stream.indirect.gather [hbm4b:s7+s6], $0x20, s2, s6, $0xb8;
	[tilespmem:$0x8800] =	vst v63  }
0x13: {  	s10 =	simm.s32 $0x4400;
	s9 =	sadd.s32 $0xF42A00, s17  }
0x14: {  	[tilespmem:s10], [sflag:$0x1] =	stream.indirect.gather [hbm4b:s9+s6], $0x20, s6, s6, $0xb8;
	[tilespmem:$0x8800] =	vst v63  }
0x15: {  	s12 =	simm.s32 $0x8400;
	s11 =	sadd.s32 $0x1EE00, s17  }
0x16: {  	[tilespmem:s12], [sflag:$0x1] =	stream.indirect.gather [hbm4b:s11+s6], $0x1, s2, s6, $0xb8;
	[tilespmem:$0x8800] =	vst v63  }
0x17: {  	s14 =	simm.s32 $0x8600;
	s15 =	simm.s32 $0x1;
	s13 =	sadd.s32 $0x400, s17  }
0x18: {  	[tilespmem:s14], [sflag:$0x1] =	stream.indirect.gather [hbm4b:s13+s6], $0x1, s6, s6, $0xb8;
	[tilespmem:$0x8800] =	vst v63  }
0x19: {  	_ =	swait.ge [sflag:s15], $0x4000  }
0x1a: {  	s21 =	sshll.u32 s21, $0x2;
	[sflag:s15] =	ssyncset.done $0x0  }
0x1b: {  	s16 =	sadd.s32 s16, s21;
	[sflag:s15] =	ssyncadd.s32 $0xFFFFC000  }
0x1c: {  	[hbm4b:s16+s2] =	stream.linear.scatter [tilespmem:s8], [sflag:$0x2], $0x4000, $0x38;
	[tilespmem:$0x8800] =	vst v63  }
0x1d: {  	_ =	swait.ge [sflag:s3], $0x4000  }
0x1e: {  	[sflag:s3] =	ssyncset.done $0x0  }
0x1f: {  	[sflag:s3] =	ssyncadd.s32 $0xFFFFC000  }
0x20: {  	_ =	swait.ge [sflag:s15], $0x4000  }
0x21: {  	s17 =	sadd.s32 s21, s17;
	[sflag:s15] =	ssyncset.done $0x0  }
0x22: {  	s17 =	sadd.s32 $0x3D800, s17;
	[sflag:s15] =	ssyncadd.s32 $0xFFFFC000  }
0x23: {  	[hbm4b:s17+s2] =	stream.linear.scatter [tilespmem:s10], [sflag:$0x2], $0x4000, $0x38;
	[tilespmem:$0x8800] =	vst v63  }
0x24: {  	_ =	swait.ge [sflag:s3], $0x4000  }
0x25: {  	[sflag:s3] =	ssyncset.done $0x0  }
0x26: {  	[sflag:s3] =	ssyncadd.s32 $0xFFFFC000  }
0x27: {  	_ =	swait.ge [sflag:s15], $0x200  }
0x28: {  	[sflag:s15] =	ssyncset.done $0x0  }
0x29: {  	s20 =	ssub.s32 $0x2, s20;
	s18 =	sadd.s32 s18, s22;
	[sflag:s15] =	ssyncadd.s32 $0xFFFFFE00  }
0x2a: {  	[hbm4b:s18+s2] =	stream.linear.scatter [tilespmem:s12], [sflag:$0x2], $0x200, $0x38;
	[tilespmem:$0x8800] =	vst v63  }
0x2b: {  	s31 =	sshrl.u32 s20, $0x1;
	_ =	swait.ge [sflag:s3], $0x200  }
0x2c: {  	s20 =	ssub.s32 s20, s31;
	[sflag:s3] =	ssyncset.done $0x0  }
0x2d: {  	s20 =	smax.u32 s20, $0x1;
	[sflag:s3] =	ssyncadd.s32 $0xFFFFFE00  }
0x2e: {  	p0 =	sne.s32 s20, $0x1;
	_ =	swait.ge [sflag:s15], $0x200  }
.Ltmp0:
0x2f: {  	[sflag:s15] =	ssyncset.done $0x0;
	(pc) =	sbr.rel @!p0 .LBB2_2-.Ltmp0, $4  }
0x30: {  	s19 =	sadd.s32 s19, s22;
	[sflag:s15] =	ssyncadd.s32 $0xFFFFFE00  }
0x31: {  	[hbm4b:s19+s2] =	stream.linear.scatter [tilespmem:s14], [sflag:$0x2], $0x200, $0x38;
	[tilespmem:$0x8800] =	vst v63  }
0x32: {  	_ =	swait.ge [sflag:s3], $0x200  }
0x33: {  	s20 =	sadd.s32 $0xFFFFFFFF, s20;
	[sflag:s3] =	ssyncset.done $0x0  }
.LBB2_1:
0x34: {  	p0 =	sne.s32 s20, $0x1;
	s20 =	sadd.s32 $0xFFFFFFFF, s20;
	[sflag:s3] =	ssyncadd.s32 $0xFFFFFE00  }
0x35: {  	[tilespmem:s2], [sflag:$0x2] =	stream.linear.gather [hbm4b:s4+s2], $0x200, $0x38;
	[tilespmem:$0x8800] =	vst v63  }
0x36: {  	_ =	swait.ge [sflag:s3], $0x200  }
0x37: {  	[sflag:s3] =	ssyncset.done $0x0  }
0x38: {  	[sflag:s3] =	ssyncadd.s32 $0xFFFFFE00  }
0x39: {  	[tilespmem:s6], [sflag:$0x2] =	stream.linear.gather [hbm4b:s5+s2], $0x200, $0x38;
	[tilespmem:$0x8800] =	vst v63  }
0x3a: {  	_ =	swait.ge [sflag:s3], $0x200  }
0x3b: {  	[sflag:s3] =	ssyncset.done $0x0  }
0x3c: {  	[sflag:s3] =	ssyncadd.s32 $0xFFFFFE00  }
0x3d: {  	[tilespmem:s8], [sflag:$0x1] =	stream.indirect.gather [hbm4b:s7+s6], $0x20, s2, s6, $0xb8;
	[tilespmem:$0x8800] =	vst v63  }
0x3e: {  	_ = 	snop  }
0x3f: {  	[tilespmem:s10], [sflag:$0x1] =	stream.indirect.gather [hbm4b:s9+s6], $0x20, s6, s6, $0xb8;
	[tilespmem:$0x8800] =	vst v63  }
0x40: {  	_ = 	snop  }
0x41: {  	[tilespmem:s12], [sflag:$0x1] =	stream.indirect.gather [hbm4b:s11+s6], $0x1, s2, s6, $0xb8;
	[tilespmem:$0x8800] =	vst v63  }
0x42: {  	_ = 	snop  }
0x43: {  	[tilespmem:s14], [sflag:$0x1] =	stream.indirect.gather [hbm4b:s13+s6], $0x1, s6, s6, $0xb8;
	[tilespmem:$0x8800] =	vst v63  }
0x44: {  	_ =	swait.ge [sflag:s15], $0x4000  }
0x45: {  	[sflag:s15] =	ssyncset.done $0x0  }
0x46: {  	[sflag:s15] =	ssyncadd.s32 $0xFFFFC000  }
0x47: {  	[hbm4b:s16+s2] =	stream.linear.scatter [tilespmem:s8], [sflag:$0x2], $0x4000, $0x38;
	[tilespmem:$0x8800] =	vst v63  }
0x48: {  	_ =	swait.ge [sflag:s3], $0x4000  }
0x49: {  	[sflag:s3] =	ssyncset.done $0x0  }
0x4a: {  	[sflag:s3] =	ssyncadd.s32 $0xFFFFC000  }
0x4b: {  	_ =	swait.ge [sflag:s15], $0x4000  }
0x4c: {  	[sflag:s15] =	ssyncset.done $0x0  }
0x4d: {  	[sflag:s15] =	ssyncadd.s32 $0xFFFFC000  }
0x4e: {  	[hbm4b:s17+s2] =	stream.linear.scatter [tilespmem:s10], [sflag:$0x2], $0x4000, $0x38;
	[tilespmem:$0x8800] =	vst v63  }
0x4f: {  	_ =	swait.ge [sflag:s3], $0x4000  }
0x50: {  	[sflag:s3] =	ssyncset.done $0x0  }
0x51: {  	[sflag:s3] =	ssyncadd.s32 $0xFFFFC000  }
0x52: {  	_ =	swait.ge [sflag:s15], $0x200  }
0x53: {  	[sflag:s15] =	ssyncset.done $0x0  }
0x54: {  	[sflag:s15] =	ssyncadd.s32 $0xFFFFFE00  }
0x55: {  	[hbm4b:s18+s2] =	stream.linear.scatter [tilespmem:s12], [sflag:$0x2], $0x200, $0x38;
	[tilespmem:$0x8800] =	vst v63  }
0x56: {  	_ =	swait.ge [sflag:s3], $0x200  }
0x57: {  	[sflag:s3] =	ssyncset.done $0x0  }
0x58: {  	[sflag:s3] =	ssyncadd.s32 $0xFFFFFE00  }
0x59: {  	_ =	swait.ge [sflag:s15], $0x200  }
.Ltmp1:
0x5a: {  	[sflag:s15] =	ssyncset.done $0x0;
	(pc) =	sbr.rel @p0 .LBB2_1-.Ltmp1, $4  }
0x5b: {  	[sflag:s15] =	ssyncadd.s32 $0xFFFFFE00  }
0x5c: {  	[hbm4b:s19+s2] =	stream.linear.scatter [tilespmem:s14], [sflag:$0x2], $0x200, $0x38;
	[tilespmem:$0x8800] =	vst v63  }
0x5d: {  	_ =	swait.ge [sflag:s3], $0x200  }
0x5e: {  	[sflag:s3] =	ssyncset.done $0x0  }
.LBB2_2:
0x5f: {  	[sflag:s3] =	ssyncadd.s32 $0xFFFFFE00  }
0x60: {  	_ =	sfence.sel $0x180000  }
0x61: {  	[bflag:$0x0] =	sbarrier.arrive $0xFFFF  }
0x62: {  	p0 =	sne.s32 s0, $0x0;
	_ =	strace $0x90000047  }
0x63: {  	s0 =	sadd.s32 @!p0 $0x100000, s1;
	[bflag:$0x2] =	sbarrier.arrive $0xFFFF  }
0x64: {  	[sflag:s0] =	ssyncadd.tile.s32 @!p0 $0x1;
	_ =	shalt  }
.Lfunc_end2:
_tile_overlayer_lowered:
.L_overlay_start_2:
0x65: {  	(tag) =	ssettag $0x2  }
0x66: {  	s0 =	rddreg [dreg:$0x0];
	s2 =	stileid.u32  }
0x67: {  	s1 =	rddreg [dreg:$0x1];
	p0 =	sne.s32 s2, $0x0  }
0x68: {  	s3 =	rddreg [dreg:$0x2];
	[bflag:$0x3] =	sbarrier.arrive $0xFFFF;
	s2 =	simm.s32 @!p0 $0x1C02  }
0x69: {  	[timem:s3], [sflag:s2] =	dma.local @!p0 [hbm:s0], s1  }
0x6a: {  	s0 =	simm.s32 @!p0 $0x2  }
0x6b: {  	_ =	swait.ge @!p0 [sflag:s0], s1  }
0x6c: {  	s1 =	ssub.s32 @!p0 $0x0, s1;
	[sflag:s0] =	ssyncset.done @!p0 $0x0  }
0x6d: {  	[sflag:s0] =	ssyncadd.s32 @!p0 s1  }
0x6e: {  	[bflag:$0x3] =	sbarrier.arrive $0xFFFF  }
0x6f: {  	_ =	shalt  }

</sc_bundles>
